<compile_context>
chip_gen: v7x
topology: tpu7x:2x2x1
jax: 0.10.2.dev20260603
libtpu: 0.0.44.dev20260713+nightly
codegen_flags: <defaults>
</compile_context>

<pallas_src>
import functools

import jax
import jax.numpy as jnp
from jax import lax
from jax.experimental import pallas as pl
from jax.experimental.pallas import tpu as pltpu
from jax.experimental.pallas import tpu_sc as plsc

N_NODES = 10000
N_EDGES = 320000
D = 128

NC = 2
NS = 16
DH = D // NC

C = 128
K = 157
E_PAD = NS * K * C
N_PAD = N_NODES + 112
ROWS_PER_TILE = N_PAD // NS
CNT_W = 16

_sc_mesh = plsc.VectorSubcoreMesh(core_axis_name="c", subcore_axis_name="s")


@functools.partial(
    pl.kernel,
    out_type=[
        jax.ShapeDtypeStruct((NC, N_PAD, DH), jnp.float32),
        jax.ShapeDtypeStruct((N_PAD, CNT_W), jnp.float32),
    ],
    mesh=_sc_mesh,
    compiler_params=pltpu.CompilerParams(use_tc_tiling_on_sc=False),
    scratch_types=[
        pltpu.VMEM((K, C), jnp.int32),
        pltpu.VMEM((K, C), jnp.int32),
        pltpu.VMEM((C, DH), jnp.float32),
        pltpu.VMEM((C, CNT_W), jnp.float32),
        pltpu.VMEM_SHARED((N_PAD, DH), jnp.float32),
        pltpu.VMEM_SHARED((N_PAD, CNT_W), jnp.float32),
    ],
)
def _sc_segment_sum(x2_hbm, src_hbm, dst_hbm, zero_hbm, zc_hbm, ones_hbm,
                    out_hbm, cnt_hbm,
                    src_v, dst_v, rows_v, ones_v, acc, cacc):
    cid = lax.axis_index("c")
    sid = lax.axis_index("s")
    base = sid * ROWS_PER_TILE
    is_c0 = cid == 0

    pltpu.sync_copy(zero_hbm, acc.at[pl.ds(base, ROWS_PER_TILE)])
    pltpu.sync_copy(src_hbm.at[cid, sid], src_v)
    pltpu.sync_copy(dst_hbm.at[sid], dst_v)

    @pl.when(is_c0)
    def _():
        pltpu.sync_copy(zc_hbm, cacc.at[pl.ds(base, ROWS_PER_TILE)])
        pltpu.sync_copy(ones_hbm, ones_v)

    plsc.subcore_barrier()

    @pl.loop(0, K)
    def _(j):
        pltpu.sync_copy(x2_hbm.at[src_v.at[j]], rows_v)
        pltpu.sync_copy(rows_v, acc.at[dst_v.at[j]], add=True)

        @pl.when(is_c0)
        def _():
            pltpu.sync_copy(ones_v, cacc.at[dst_v.at[j]], add=True)

    plsc.subcore_barrier()
    pltpu.sync_copy(acc.at[pl.ds(base, ROWS_PER_TILE)],
                    out_hbm.at[cid, pl.ds(base, ROWS_PER_TILE)])

    @pl.when(is_c0)
    def _():
        pltpu.sync_copy(cacc.at[pl.ds(base, ROWS_PER_TILE)],
                        cnt_hbm.at[pl.ds(base, ROWS_PER_TILE)])


def _tc_body(p_ref, c_ref, x_ref, wl_ref, wr_ref, b_ref, o_ref):
    agg = jnp.concatenate([p_ref[0], p_ref[1]], axis=1)
    cnt = c_ref[:, 0:1]
    mean = agg / jnp.maximum(cnt, 1.0)
    out = (
        lax.dot_general(mean, wl_ref[...], (((1,), (1,)), ((), ())),
                        preferred_element_type=jnp.float32)
        + lax.dot_general(x_ref[...], wr_ref[...], (((1,), (1,)), ((), ())),
                          preferred_element_type=jnp.float32)
        + b_ref[...]
    )
    nrm = jnp.sqrt(jnp.sum(out * out, axis=-1, keepdims=True))
    o_ref[...] = out / jnp.maximum(nrm, 1e-12)


def kernel(x, edge_index, W_l, b_l, W_r):
    src = edge_index[0].astype(jnp.int32)
    dst = edge_index[1].astype(jnp.int32)
    pad = E_PAD - N_EDGES
    src = jnp.concatenate([src, jnp.zeros((pad,), jnp.int32)])
    dst = jnp.concatenate([dst, jnp.full((pad,), N_NODES, jnp.int32)])
    src = src.reshape(NS, K, C)
    src = jnp.stack([src, src + N_NODES])
    dst = dst.reshape(NS, K, C)
    x2 = x.reshape(N_NODES, NC, DH).transpose(1, 0, 2).reshape(NC * N_NODES, DH)

    zero = jnp.zeros((ROWS_PER_TILE, DH), jnp.float32)
    zc = jnp.zeros((ROWS_PER_TILE, CNT_W), jnp.float32)
    ones = jnp.ones((C, CNT_W), jnp.float32)

    parts, cnts = _sc_segment_sum(x2, src, dst, zero, zc, ones)
    parts = parts[:, :N_NODES]
    cnts = cnts[:N_NODES]

    R = 2000
    grid = N_NODES // R
    out = pl.pallas_call(
        _tc_body,
        grid=(grid,),
        in_specs=[
            pl.BlockSpec((2, R, DH), lambda i: (0, i, 0)),
            pl.BlockSpec((R, CNT_W), lambda i: (i, 0)),
            pl.BlockSpec((R, D), lambda i: (i, 0)),
            pl.BlockSpec((D, D), lambda i: (0, 0)),
            pl.BlockSpec((D, D), lambda i: (0, 0)),
            pl.BlockSpec((1, D), lambda i: (0, 0)),
        ],
        out_specs=pl.BlockSpec((R, D), lambda i: (i, 0)),
        out_shape=jax.ShapeDtypeStruct((N_NODES, D), jnp.float32),
    )(parts, cnts, x, W_l, W_r, b_l.reshape(1, D))
    return out

# --- scband reference (transcript-rebuilt; emitter-appended) ---
"""Pipeline reference for scband-graph-sage-66915590472496 (READ-ONLY COPY).

The authoritative reference and input builder live on the scoring server;
editing this copy changes nothing except your own understanding.
"""

import jax, jax.numpy as jnp
import numpy as np

N_NODES = 10000
N_EDGES = 320000
D_IN = 128
D_OUT = 128

def setup_inputs(seed: int = 0) -> dict:
    key = jax.random.key(seed)
    k1, k2, k3, k4 = jax.random.split(key, 4)
    x = jax.random.normal(k1, (N_NODES, D_IN), dtype=jnp.float32)
    edge_index = jax.random.randint(k2, (2, N_EDGES), 0, N_NODES, dtype=jnp.int64)
    # SAGEConv params: lin_l (aggregated neighbors, with bias), lin_r (root, no bias)
    scale = 1.0 / np.sqrt(D_IN)
    W_l = jax.random.uniform(k3, (D_OUT, D_IN), dtype=jnp.float32, minval=-scale, maxval=scale)
    b_l = jnp.zeros((D_OUT,), dtype=jnp.float32)
    W_r = jax.random.uniform(k4, (D_OUT, D_IN), dtype=jnp.float32, minval=-scale, maxval=scale)
    return {"x": x, "edge_index": edge_index, "W_l": W_l, "b_l": b_l, "W_r": W_r}

def reference(x, edge_index, W_l, b_l, W_r):
    # adjs = [(edge_index, None, (N_NODES, N_NODES))]; single SAGEConv layer (layer=1)
    # bipartite input (x, x_target) with x_target = x[:size[1]] = x
    src = edge_index[0]
    dst = edge_index[1]
    x_target = x[:N_NODES]
    # message: x_j = x[src]; mean aggregation over incoming edges per dst node
    msgs = jnp.take(x, src, axis=0)
    agg_sum = jax.ops.segment_sum(msgs, dst, num_segments=N_NODES)
    cnt = jax.ops.segment_sum(jnp.ones((N_EDGES,), dtype=x.dtype), dst, num_segments=N_NODES)
    agg_mean = agg_sum / jnp.clip(cnt, 1.0, None)[:, None]
    out = agg_mean @ W_l.T + b_l + x_target @ W_r.T
    # normalize=True -> F.normalize(out, p=2, dim=-1)
    norm = jnp.linalg.norm(out, axis=-1, keepdims=True)
    out = out / jnp.clip(norm, 1e-12, None)
    return out

if __name__ == "__main__":
    import jax
    _d = setup_inputs()
    print(jax.jit(kernel)(*tuple(_d.values())))

</pallas_src>

<mosaic_0001>
#map = affine_map<(d0, d1) -> (0, 0)>
#map1 = affine_map<(d0, d1) -> (0, 0, 0, 0)>
#map2 = affine_map<(d0, d1) -> (0, 0, 0)>
module attributes {stable_mosaic.version = 14 : i64} {
  func.func @_sc_segment_sum(%arg0: i32, %arg1: i32, %arg2: memref<20000x64xf32, #tpu.memory_space<hbm>>, %arg3: memref<2x16x157x128xi32, #tpu.memory_space<hbm>>, %arg4: memref<16x157x128xi32, #tpu.memory_space<hbm>>, %arg5: memref<632x64xf32, #tpu.memory_space<hbm>>, %arg6: memref<632x16xf32, #tpu.memory_space<hbm>>, %arg7: memref<128x16xf32, #tpu.memory_space<hbm>>, %arg8: memref<2x10112x64xf32, #tpu.memory_space<hbm>>, %arg9: memref<10112x16xf32, #tpu.memory_space<hbm>>, %arg10: memref<157x128xi32, #tpu.memory_space<vmem>>, %arg11: memref<157x128xi32, #tpu.memory_space<vmem>>, %arg12: memref<128x64xf32, #tpu.memory_space<vmem>>, %arg13: memref<128x16xf32, #tpu.memory_space<vmem>>, %arg14: memref<10112x64xf32, #tpu.memory_space<vmem_shared>>, %arg15: memref<10112x16xf32, #tpu.memory_space<vmem_shared>>) attributes {dimension_semantics = [#tpu.dimension_semantics<core_parallel>, #tpu.dimension_semantics<subcore_parallel>], iteration_bounds = array<i64: 2, 16>, scalar_prefetch = 0 : i64, scratch_operands = 6 : i64, tpu.core_type = #tpu.core_type<sc_vector_subcore>, window_params = [{transform_indices = #map}, {transform_indices = #map1}, {transform_indices = #map2}, {transform_indices = #map}, {transform_indices = #map}, {transform_indices = #map}, {transform_indices = #map2}, {transform_indices = #map}]} {
    %mul3A = arith.constant 632 : i32
    %mul3A_0 = arith.muli %arg1, %mul3A : i32
    %eq3A = arith.constant 0 : i32
    %eq3A_1 = arith.cmpi eq, %arg0, %eq3A : i32
    "tpu.region"() ({
      %run_scoped3A = tpu.sem_alloc : memref<!tpu.dma_semaphore, #tpu.memory_space<semaphore_mem>>
      %dma_start3A = arith.constant 0 : i32
      %dma_start3A_11 = tpu.memref_slice %arg14[%mul3A_0, %dma_start3A] : memref<10112x64xf32, #tpu.memory_space<vmem_shared>> -> memref<632x64xf32, #tpu.memory_space<vmem_shared>>
      tpu.enqueue_dma source(%arg5 : memref<632x64xf32, #tpu.memory_space<hbm>>) target(%dma_start3A_11 : memref<632x64xf32, #tpu.memory_space<vmem_shared>>) target_semaphore(%run_scoped3A : memref<!tpu.dma_semaphore, #tpu.memory_space<semaphore_mem>>)
      %dma_wait3A = arith.constant 0 : i32
      %dma_wait3A_12 = tpu.memref_slice %arg14[%mul3A_0, %dma_wait3A] : memref<10112x64xf32, #tpu.memory_space<vmem_shared>> -> memref<632x64xf32, #tpu.memory_space<vmem_shared>>
      tpu.wait_dma2 semaphore(%run_scoped3A : memref<!tpu.dma_semaphore, #tpu.memory_space<semaphore_mem>>) src(%arg5 : memref<632x64xf32, #tpu.memory_space<hbm>>) dst(%dma_wait3A_12 : memref<632x64xf32, #tpu.memory_space<vmem_shared>>)
      tpu.yield
    }) : () -> ()
    "tpu.region"() ({
      %run_scoped3A = tpu.sem_alloc : memref<!tpu.dma_semaphore, #tpu.memory_space<semaphore_mem>>
      %dma_start3A = arith.constant 0 : i32
      %dma_start3A_11 = arith.constant 0 : i32
      %dma_start3A_12 = tpu.memref_slice %arg3[%arg0, %arg1, %dma_start3A, %dma_start3A_11] : memref<2x16x157x128xi32, #tpu.memory_space<hbm>> -> memref<1x1x157x128xi32, #tpu.memory_space<hbm>>
      %dma_start3A_13 = tpu.memref_squeeze %dma_start3A_12 : memref<1x1x157x128xi32, #tpu.memory_space<hbm>> -> memref<157x128xi32, #tpu.memory_space<hbm>>
      %dma_start3A_14 = arith.constant 0 : i32
      %dma_start3A_15 = arith.constant 0 : i32
      %dma_start3A_16 = tpu.memref_slice %arg3[%arg0, %arg1, %dma_start3A_14, %dma_start3A_15] : memref<2x16x157x128xi32, #tpu.memory_space<hbm>> -> memref<1x1x157x128xi32, #tpu.memory_space<hbm>>
      %dma_start3A_17 = tpu.memref_squeeze %dma_start3A_16 : memref<1x1x157x128xi32, #tpu.memory_space<hbm>> -> memref<157x128xi32, #tpu.memory_space<hbm>>
      tpu.enqueue_dma source(%dma_start3A_17 : memref<157x128xi32, #tpu.memory_space<hbm>>) target(%arg10 : memref<157x128xi32, #tpu.memory_space<vmem>>) target_semaphore(%run_scoped3A : memref<!tpu.dma_semaphore, #tpu.memory_space<semaphore_mem>>)
      %dma_wait3A = arith.constant 0 : i32
      %dma_wait3A_18 = arith.constant 0 : i32
      %dma_wait3A_19 = tpu.memref_slice %arg3[%arg0, %arg1, %dma_wait3A, %dma_wait3A_18] : memref<2x16x157x128xi32, #tpu.memory_space<hbm>> -> memref<1x1x157x128xi32, #tpu.memory_space<hbm>>
      %dma_wait3A_20 = tpu.memref_squeeze %dma_wait3A_19 : memref<1x1x157x128xi32, #tpu.memory_space<hbm>> -> memref<157x128xi32, #tpu.memory_space<hbm>>
      %dma_wait3A_21 = arith.constant 0 : i32
      %dma_wait3A_22 = arith.constant 0 : i32
      %dma_wait3A_23 = tpu.memref_slice %arg3[%arg0, %arg1, %dma_wait3A_21, %dma_wait3A_22] : memref<2x16x157x128xi32, #tpu.memory_space<hbm>> -> memref<1x1x157x128xi32, #tpu.memory_space<hbm>>
      %dma_wait3A_24 = tpu.memref_squeeze %dma_wait3A_23 : memref<1x1x157x128xi32, #tpu.memory_space<hbm>> -> memref<157x128xi32, #tpu.memory_space<hbm>>
      tpu.wait_dma2 semaphore(%run_scoped3A : memref<!tpu.dma_semaphore, #tpu.memory_space<semaphore_mem>>) src(%dma_wait3A_24 : memref<157x128xi32, #tpu.memory_space<hbm>>) dst(%arg10 : memref<157x128xi32, #tpu.memory_space<vmem>>)
      tpu.yield
    }) : () -> ()
    "tpu.region"() ({
      %run_scoped3A = tpu.sem_alloc : memref<!tpu.dma_semaphore, #tpu.memory_space<semaphore_mem>>
      %dma_start3A = arith.constant 0 : i32
      %dma_start3A_11 = arith.constant 0 : i32
      %dma_start3A_12 = tpu.memref_slice %arg4[%arg1, %dma_start3A, %dma_start3A_11] : memref<16x157x128xi32, #tpu.memory_space<hbm>> -> memref<1x157x128xi32, #tpu.memory_space<hbm>>
      %dma_start3A_13 = tpu.memref_squeeze %dma_start3A_12 : memref<1x157x128xi32, #tpu.memory_space<hbm>> -> memref<157x128xi32, #tpu.memory_space<hbm>>
      %dma_start3A_14 = arith.constant 0 : i32
      %dma_start3A_15 = arith.constant 0 : i32
      %dma_start3A_16 = tpu.memref_slice %arg4[%arg1, %dma_start3A_14, %dma_start3A_15] : memref<16x157x128xi32, #tpu.memory_space<hbm>> -> memref<1x157x128xi32, #tpu.memory_space<hbm>>
      %dma_start3A_17 = tpu.memref_squeeze %dma_start3A_16 : memref<1x157x128xi32, #tpu.memory_space<hbm>> -> memref<157x128xi32, #tpu.memory_space<hbm>>
      tpu.enqueue_dma source(%dma_start3A_17 : memref<157x128xi32, #tpu.memory_space<hbm>>) target(%arg11 : memref<157x128xi32, #tpu.memory_space<vmem>>) target_semaphore(%run_scoped3A : memref<!tpu.dma_semaphore, #tpu.memory_space<semaphore_mem>>)
      %dma_wait3A = arith.constant 0 : i32
      %dma_wait3A_18 = arith.constant 0 : i32
      %dma_wait3A_19 = tpu.memref_slice %arg4[%arg1, %dma_wait3A, %dma_wait3A_18] : memref<16x157x128xi32, #tpu.memory_space<hbm>> -> memref<1x157x128xi32, #tpu.memory_space<hbm>>
      %dma_wait3A_20 = tpu.memref_squeeze %dma_wait3A_19 : memref<1x157x128xi32, #tpu.memory_space<hbm>> -> memref<157x128xi32, #tpu.memory_space<hbm>>
      %dma_wait3A_21 = arith.constant 0 : i32
      %dma_wait3A_22 = arith.constant 0 : i32
      %dma_wait3A_23 = tpu.memref_slice %arg4[%arg1, %dma_wait3A_21, %dma_wait3A_22] : memref<16x157x128xi32, #tpu.memory_space<hbm>> -> memref<1x157x128xi32, #tpu.memory_space<hbm>>
      %dma_wait3A_24 = tpu.memref_squeeze %dma_wait3A_23 : memref<1x157x128xi32, #tpu.memory_space<hbm>> -> memref<157x128xi32, #tpu.memory_space<hbm>>
      tpu.wait_dma2 semaphore(%run_scoped3A : memref<!tpu.dma_semaphore, #tpu.memory_space<semaphore_mem>>) src(%dma_wait3A_24 : memref<157x128xi32, #tpu.memory_space<hbm>>) dst(%arg11 : memref<157x128xi32, #tpu.memory_space<vmem>>)
      tpu.yield
    }) : () -> ()
    %convert_element_type3A = arith.extui %eq3A_1 : i1 to i32
    %cond3A = arith.constant 0 : i32
    %cond3A_2 = arith.cmpi ne, %convert_element_type3A, %cond3A : i32
    scf.if %cond3A_2 {
      "tpu.region"() ({
        %run_scoped3A = tpu.sem_alloc : memref<!tpu.dma_semaphore, #tpu.memory_space<semaphore_mem>>
        %dma_start3A = arith.constant 0 : i32
        %dma_start3A_11 = tpu.memref_slice %arg15[%mul3A_0, %dma_start3A] : memref<10112x16xf32, #tpu.memory_space<vmem_shared>> -> memref<632x16xf32, #tpu.memory_space<vmem_shared>>
        tpu.enqueue_dma source(%arg6 : memref<632x16xf32, #tpu.memory_space<hbm>>) target(%dma_start3A_11 : memref<632x16xf32, #tpu.memory_space<vmem_shared>>) target_semaphore(%run_scoped3A : memref<!tpu.dma_semaphore, #tpu.memory_space<semaphore_mem>>)
        %dma_wait3A = arith.constant 0 : i32
        %dma_wait3A_12 = tpu.memref_slice %arg15[%mul3A_0, %dma_wait3A] : memref<10112x16xf32, #tpu.memory_space<vmem_shared>> -> memref<632x16xf32, #tpu.memory_space<vmem_shared>>
        tpu.wait_dma2 semaphore(%run_scoped3A : memref<!tpu.dma_semaphore, #tpu.memory_space<semaphore_mem>>) src(%arg6 : memref<632x16xf32, #tpu.memory_space<hbm>>) dst(%dma_wait3A_12 : memref<632x16xf32, #tpu.memory_space<vmem_shared>>)
        tpu.yield
      }) : () -> ()
      "tpu.region"() ({
        %run_scoped3A = tpu.sem_alloc : memref<!tpu.dma_semaphore, #tpu.memory_space<semaphore_mem>>
        tpu.enqueue_dma source(%arg7 : memref<128x16xf32, #tpu.memory_space<hbm>>) target(%arg13 : memref<128x16xf32, #tpu.memory_space<vmem>>) target_semaphore(%run_scoped3A : memref<!tpu.dma_semaphore, #tpu.memory_space<semaphore_mem>>)
        tpu.wait_dma2 semaphore(%run_scoped3A : memref<!tpu.dma_semaphore, #tpu.memory_space<semaphore_mem>>) src(%arg7 : memref<128x16xf32, #tpu.memory_space<hbm>>) dst(%arg13 : memref<128x16xf32, #tpu.memory_space<vmem>>)
        tpu.yield
      }) : () -> ()
    } else {
    }
    %barrier3A = arith.constant 0 : index
    tpu.barrier barrier_id(%barrier3A)
    %scan3A = arith.constant 0 : i32
    %scan3A_3 = arith.constant 157 : i32
    %scan3A_4 = arith.addi %scan3A, %scan3A_3 : i32
    %scan3A_5 = arith.constant 1 : i32
    scf.for %scan3A_11 = %scan3A to %scan3A_4 step %scan3A_5  : i32 {
      %mul3A_12 = arith.constant 1 : i32
      %mul3A_13 = arith.muli %scan3A_11, %mul3A_12 : i32
      %add3A = arith.constant 0 : i32
      %add3A_14 = arith.addi %add3A, %mul3A_13 : i32
      "tpu.region"() ({
        %run_scoped3A = tpu.sem_alloc : memref<!tpu.dma_semaphore, #tpu.memory_space<semaphore_mem>>
        %dma_start3A = arith.constant 0 : i32
        %dma_start3A_18 = tpu.memref_slice %arg10[%add3A_14, %dma_start3A] : memref<157x128xi32, #tpu.memory_space<vmem>> -> memref<1x128xi32, #tpu.memory_space<vmem>>
        %dma_start3A_19 = tpu.memref_squeeze %dma_start3A_18 : memref<1x128xi32, #tpu.memory_space<vmem>> -> memref<128xi32, #tpu.memory_space<vmem>>
        %dma_start3A_20 = arith.constant 0 : i32
        %dma_start3A_21 = arith.constant 0 : i32
        %dma_start3A_22 = tpu.memref_slice %arg2[%dma_start3A_20, %dma_start3A_21] : memref<20000x64xf32, #tpu.memory_space<hbm>> -> memref<20000x64xf32, #tpu.memory_space<hbm>>
        tpu.enqueue_indirect_dma source(%dma_start3A_22 : memref<20000x64xf32, #tpu.memory_space<hbm>>) target(%arg12 : memref<128x64xf32, #tpu.memory_space<vmem>>) offsets(%dma_start3A_19 : memref<128xi32, #tpu.memory_space<vmem>>) semaphore(%run_scoped3A : memref<!tpu.dma_semaphore, #tpu.memory_space<semaphore_mem>>)
        %dma_wait3A = arith.constant 0 : i32
        %dma_wait3A_23 = tpu.memref_slice %arg10[%add3A_14, %dma_wait3A] : memref<157x128xi32, #tpu.memory_space<vmem>> -> memref<1x128xi32, #tpu.memory_space<vmem>>
        %dma_wait3A_24 = tpu.memref_squeeze %dma_wait3A_23 : memref<1x128xi32, #tpu.memory_space<vmem>> -> memref<128xi32, #tpu.memory_space<vmem>>
        %dma_wait3A_25 = arith.constant 0 : i32
        %dma_wait3A_26 = arith.constant 0 : i32
        %dma_wait3A_27 = tpu.memref_slice %arg2[%dma_wait3A_25, %dma_wait3A_26] : memref<20000x64xf32, #tpu.memory_space<hbm>> -> memref<20000x64xf32, #tpu.memory_space<hbm>>
        tpu.wait_indirect_dma semaphore(%run_scoped3A : memref<!tpu.dma_semaphore, #tpu.memory_space<semaphore_mem>>) src(%dma_wait3A_27 : memref<20000x64xf32, #tpu.memory_space<hbm>>) dst(%arg12 : memref<128x64xf32, #tpu.memory_space<vmem>>)
        tpu.yield
      }) : () -> ()
      "tpu.region"() ({
        %run_scoped3A = tpu.sem_alloc : memref<!tpu.dma_semaphore, #tpu.memory_space<semaphore_mem>>
        %dma_start3A = arith.constant 0 : i32
        %dma_start3A_18 = tpu.memref_slice %arg11[%add3A_14, %dma_start3A] : memref<157x128xi32, #tpu.memory_space<vmem>> -> memref<1x128xi32, #tpu.memory_space<vmem>>
        %dma_start3A_19 = tpu.memref_squeeze %dma_start3A_18 : memref<1x128xi32, #tpu.memory_space<vmem>> -> memref<128xi32, #tpu.memory_space<vmem>>
        %dma_start3A_20 = arith.constant 0 : i32
        %dma_start3A_21 = arith.constant 0 : i32
        %dma_start3A_22 = tpu.memref_slice %arg14[%dma_start3A_20, %dma_start3A_21] : memref<10112x64xf32, #tpu.memory_space<vmem_shared>> -> memref<10112x64xf32, #tpu.memory_space<vmem_shared>>
        tpu.enqueue_indirect_dma source(%arg12 : memref<128x64xf32, #tpu.memory_space<vmem>>) target(%dma_start3A_22 : memref<10112x64xf32, #tpu.memory_space<vmem_shared>>) offsets(%dma_start3A_19 : memref<128xi32, #tpu.memory_space<vmem>>) semaphore(%run_scoped3A : memref<!tpu.dma_semaphore, #tpu.memory_space<semaphore_mem>>) {add = true}
        %dma_wait3A = arith.constant 0 : i32
        %dma_wait3A_23 = tpu.memref_slice %arg11[%add3A_14, %dma_wait3A] : memref<157x128xi32, #tpu.memory_space<vmem>> -> memref<1x128xi32, #tpu.memory_space<vmem>>
        %dma_wait3A_24 = tpu.memref_squeeze %dma_wait3A_23 : memref<1x128xi32, #tpu.memory_space<vmem>> -> memref<128xi32, #tpu.memory_space<vmem>>
        %dma_wait3A_25 = arith.constant 0 : i32
        %dma_wait3A_26 = arith.constant 0 : i32
        %dma_wait3A_27 = tpu.memref_slice %arg14[%dma_wait3A_25, %dma_wait3A_26] : memref<10112x64xf32, #tpu.memory_space<vmem_shared>> -> memref<10112x64xf32, #tpu.memory_space<vmem_shared>>
        tpu.wait_indirect_dma semaphore(%run_scoped3A : memref<!tpu.dma_semaphore, #tpu.memory_space<semaphore_mem>>) src(%arg12 : memref<128x64xf32, #tpu.memory_space<vmem>>) dst(%dma_wait3A_27 : memref<10112x64xf32, #tpu.memory_space<vmem_shared>>)
        tpu.yield
      }) : () -> ()
      %convert_element_type3A_15 = arith.extui %eq3A_1 : i1 to i32
      %cond3A_16 = arith.constant 0 : i32
      %cond3A_17 = arith.cmpi ne, %convert_element_type3A_15, %cond3A_16 : i32
      scf.if %cond3A_17 {
        "tpu.region"() ({
          %run_scoped3A = tpu.sem_alloc : memref<!tpu.dma_semaphore, #tpu.memory_space<semaphore_mem>>
          %dma_start3A = arith.constant 0 : i32
          %dma_start3A_18 = tpu.memref_slice %arg11[%add3A_14, %dma_start3A] : memref<157x128xi32, #tpu.memory_space<vmem>> -> memref<1x128xi32, #tpu.memory_space<vmem>>
          %dma_start3A_19 = tpu.memref_squeeze %dma_start3A_18 : memref<1x128xi32, #tpu.memory_space<vmem>> -> memref<128xi32, #tpu.memory_space<vmem>>
          %dma_start3A_20 = arith.constant 0 : i32
          %dma_start3A_21 = arith.constant 0 : i32
          %dma_start3A_22 = tpu.memref_slice %arg15[%dma_start3A_20, %dma_start3A_21] : memref<10112x16xf32, #tpu.memory_space<vmem_shared>> -> memref<10112x16xf32, #tpu.memory_space<vmem_shared>>
          tpu.enqueue_indirect_dma source(%arg13 : memref<128x16xf32, #tpu.memory_space<vmem>>) target(%dma_start3A_22 : memref<10112x16xf32, #tpu.memory_space<vmem_shared>>) offsets(%dma_start3A_19 : memref<128xi32, #tpu.memory_space<vmem>>) semaphore(%run_scoped3A : memref<!tpu.dma_semaphore, #tpu.memory_space<semaphore_mem>>) {add = true}
          %dma_wait3A = arith.constant 0 : i32
          %dma_wait3A_23 = tpu.memref_slice %arg11[%add3A_14, %dma_wait3A] : memref<157x128xi32, #tpu.memory_space<vmem>> -> memref<1x128xi32, #tpu.memory_space<vmem>>
          %dma_wait3A_24 = tpu.memref_squeeze %dma_wait3A_23 : memref<1x128xi32, #tpu.memory_space<vmem>> -> memref<128xi32, #tpu.memory_space<vmem>>
          %dma_wait3A_25 = arith.constant 0 : i32
          %dma_wait3A_26 = arith.constant 0 : i32
          %dma_wait3A_27 = tpu.memref_slice %arg15[%dma_wait3A_25, %dma_wait3A_26] : memref<10112x16xf32, #tpu.memory_space<vmem_shared>> -> memref<10112x16xf32, #tpu.memory_space<vmem_shared>>
          tpu.wait_indirect_dma semaphore(%run_scoped3A : memref<!tpu.dma_semaphore, #tpu.memory_space<semaphore_mem>>) src(%arg13 : memref<128x16xf32, #tpu.memory_space<vmem>>) dst(%dma_wait3A_27 : memref<10112x16xf32, #tpu.memory_space<vmem_shared>>)
          tpu.yield
        }) : () -> ()
      } else {
      }
    }
    %scan3A_6 = arith.constant 157 : i32
    %barrier3A_7 = arith.constant 0 : index
    tpu.barrier barrier_id(%barrier3A_7)
    "tpu.region"() ({
      %run_scoped3A = tpu.sem_alloc : memref<!tpu.dma_semaphore, #tpu.memory_space<semaphore_mem>>
      %dma_start3A = arith.constant 0 : i32
      %dma_start3A_11 = tpu.memref_slice %arg8[%arg0, %mul3A_0, %dma_start3A] : memref<2x10112x64xf32, #tpu.memory_space<hbm>> -> memref<1x632x64xf32, #tpu.memory_space<hbm>>
      %dma_start3A_12 = tpu.memref_squeeze %dma_start3A_11 : memref<1x632x64xf32, #tpu.memory_space<hbm>> -> memref<632x64xf32, #tpu.memory_space<hbm>>
      %dma_start3A_13 = arith.constant 0 : i32
      %dma_start3A_14 = tpu.memref_slice %arg14[%mul3A_0, %dma_start3A_13] : memref<10112x64xf32, #tpu.memory_space<vmem_shared>> -> memref<632x64xf32, #tpu.memory_space<vmem_shared>>
      tpu.enqueue_dma source(%dma_start3A_14 : memref<632x64xf32, #tpu.memory_space<vmem_shared>>) target(%dma_start3A_12 : memref<632x64xf32, #tpu.memory_space<hbm>>) target_semaphore(%run_scoped3A : memref<!tpu.dma_semaphore, #tpu.memory_space<semaphore_mem>>)
      %dma_wait3A = arith.constant 0 : i32
      %dma_wait3A_15 = tpu.memref_slice %arg8[%arg0, %mul3A_0, %dma_wait3A] : memref<2x10112x64xf32, #tpu.memory_space<hbm>> -> memref<1x632x64xf32, #tpu.memory_space<hbm>>
      %dma_wait3A_16 = tpu.memref_squeeze %dma_wait3A_15 : memref<1x632x64xf32, #tpu.memory_space<hbm>> -> memref<632x64xf32, #tpu.memory_space<hbm>>
      %dma_wait3A_17 = arith.constant 0 : i32
      %dma_wait3A_18 = tpu.memref_slice %arg14[%mul3A_0, %dma_wait3A_17] : memref<10112x64xf32, #tpu.memory_space<vmem_shared>> -> memref<632x64xf32, #tpu.memory_space<vmem_shared>>
      tpu.wait_dma2 semaphore(%run_scoped3A : memref<!tpu.dma_semaphore, #tpu.memory_space<semaphore_mem>>) src(%dma_wait3A_18 : memref<632x64xf32, #tpu.memory_space<vmem_shared>>) dst(%dma_wait3A_16 : memref<632x64xf32, #tpu.memory_space<hbm>>)
      tpu.yield
    }) : () -> ()
    %convert_element_type3A_8 = arith.extui %eq3A_1 : i1 to i32
    %cond3A_9 = arith.constant 0 : i32
    %cond3A_10 = arith.cmpi ne, %convert_element_type3A_8, %cond3A_9 : i32
    scf.if %cond3A_10 {
      "tpu.region"() ({
        %run_scoped3A = tpu.sem_alloc : memref<!tpu.dma_semaphore, #tpu.memory_space<semaphore_mem>>
        %dma_start3A = arith.constant 0 : i32
        %dma_start3A_11 = tpu.memref_slice %arg9[%mul3A_0, %dma_start3A] : memref<10112x16xf32, #tpu.memory_space<hbm>> -> memref<632x16xf32, #tpu.memory_space<hbm>>
        %dma_start3A_12 = arith.constant 0 : i32
        %dma_start3A_13 = tpu.memref_slice %arg15[%mul3A_0, %dma_start3A_12] : memref<10112x16xf32, #tpu.memory_space<vmem_shared>> -> memref<632x16xf32, #tpu.memory_space<vmem_shared>>
        tpu.enqueue_dma source(%dma_start3A_13 : memref<632x16xf32, #tpu.memory_space<vmem_shared>>) target(%dma_start3A_11 : memref<632x16xf32, #tpu.memory_space<hbm>>) target_semaphore(%run_scoped3A : memref<!tpu.dma_semaphore, #tpu.memory_space<semaphore_mem>>)
        %dma_wait3A = arith.constant 0 : i32
        %dma_wait3A_14 = tpu.memref_slice %arg9[%mul3A_0, %dma_wait3A] : memref<10112x16xf32, #tpu.memory_space<hbm>> -> memref<632x16xf32, #tpu.memory_space<hbm>>
        %dma_wait3A_15 = arith.constant 0 : i32
        %dma_wait3A_16 = tpu.memref_slice %arg15[%mul3A_0, %dma_wait3A_15] : memref<10112x16xf32, #tpu.memory_space<vmem_shared>> -> memref<632x16xf32, #tpu.memory_space<vmem_shared>>
        tpu.wait_dma2 semaphore(%run_scoped3A : memref<!tpu.dma_semaphore, #tpu.memory_space<semaphore_mem>>) src(%dma_wait3A_16 : memref<632x16xf32, #tpu.memory_space<vmem_shared>>) dst(%dma_wait3A_14 : memref<632x16xf32, #tpu.memory_space<hbm>>)
        tpu.yield
      }) : () -> ()
    } else {
    }
    return
  }
}

module attributes {stable_mosaic.version = 14 : i64} {
  func.func @_tc_body(%arg0: i32, %arg1: memref<2x2000x64xf32, #tpu.memory_space<vmem>>, %arg2: memref<2000x16xf32, #tpu.memory_space<vmem>>, %arg3: memref<2000x128xf32, #tpu.memory_space<vmem>>, %arg4: memref<128x128xf32, #tpu.memory_space<vmem>>, %arg5: memref<128x128xf32, #tpu.memory_space<vmem>>, %arg6: memref<1x128xf32, #tpu.memory_space<vmem>>, %arg7: memref<2000x128xf32, #tpu.memory_space<vmem>>) attributes {dimension_semantics = [#tpu.dimension_semantics<arbitrary>], iteration_bounds = array<i64: 5>, scalar_prefetch = 0 : i64, scratch_operands = 0 : i64, tpu.core_type = #tpu.core_type<tc>, window_params = [{transform_indices = @transform_0, window_bounds = array<i64: 2, 2000, 64>}, {transform_indices = @transform_1, window_bounds = array<i64: 2000, 16>}, {transform_indices = @transform_2, window_bounds = array<i64: 2000, 128>}, {pipeline_mode = #tpu.pipeline_mode<synchronous>, transform_indices = @transform_3, window_bounds = array<i64: 128, 128>}, {pipeline_mode = #tpu.pipeline_mode<synchronous>, transform_indices = @transform_4, window_bounds = array<i64: 128, 128>}, {pipeline_mode = #tpu.pipeline_mode<synchronous>, transform_indices = @transform_5, window_bounds = array<i64: 1, 128>}, {transform_indices = @transform_6, window_bounds = array<i64: 2000, 128>}]} {
    %get3A = arith.constant 0 : index
    %get3A_0 = arith.constant 0 : index
    %get3A_1 = arith.constant 0 : index
    %get3A_2 = vector.load %arg1[%get3A, %get3A_0, %get3A_1] : memref<2x2000x64xf32, #tpu.memory_space<vmem>>, vector<1x2000x64xf32>
    %get3A_3 = vector.shape_cast %get3A_2 : vector<1x2000x64xf32> to vector<2000x64xf32>
    %get3A_4 = arith.constant 1 : index
    %get3A_5 = arith.constant 0 : index
    %get3A_6 = arith.constant 0 : index
    %get3A_7 = vector.load %arg1[%get3A_4, %get3A_5, %get3A_6] : memref<2x2000x64xf32, #tpu.memory_space<vmem>>, vector<1x2000x64xf32>
    %get3A_8 = vector.shape_cast %get3A_7 : vector<1x2000x64xf32> to vector<2000x64xf32>
    %concatenate3A = tpu.concatenate %get3A_3, %get3A_8 in 1 : vector<2000x64xf32>, vector<2000x64xf32> -> vector<2000x128xf32>
    %get3A_9 = arith.constant 0 : index
    %get3A_10 = arith.constant 0 : index
    %get3A_11 = vector.load %arg2[%get3A_9, %get3A_10] : memref<2000x16xf32, #tpu.memory_space<vmem>>, vector<2000x1xf32>
    %max3A = arith.constant 1.000000e+00 : f32
    %max3A_12 = vector.broadcast %max3A : f32 to vector<2000x1xf32>
    %max3A_13 = arith.maximumf %get3A_11, %max3A_12 : vector<2000x1xf32>
    %div3A = vector.broadcast %max3A_13 : vector<2000x1xf32> to vector<2000x128xf32>
    %div3A_14 = arith.divf %concatenate3A, %div3A : vector<2000x128xf32>
    %get3A_15 = arith.constant 0 : index
    %get3A_16 = arith.constant 0 : index
    %get3A_17 = vector.load %arg4[%get3A_15, %get3A_16] : memref<128x128xf32, #tpu.memory_space<vmem>>, vector<128x128xf32>
    %dot_general3A = arith.constant dense<0.000000e+00> : vector<2000x128xf32>
    %dot_general3A_18 = tpu.matmul %div3A_14, %get3A_17, %dot_general3A {dimension_numbers = #tpu.dot_dimension_numbers<[1], [1], [0], [0], [0, 0, 1, 0], [], []>, transpose_lhs_hint = false} : vector<2000x128xf32>, vector<128x128xf32>, vector<2000x128xf32> -> vector<2000x128xf32>
    %get3A_19 = arith.constant 0 : index
    %get3A_20 = arith.constant 0 : index
    %get3A_21 = vector.load %arg3[%get3A_19, %get3A_20] : memref<2000x128xf32, #tpu.memory_space<vmem>>, vector<2000x128xf32>
    %get3A_22 = arith.constant 0 : index
    %get3A_23 = arith.constant 0 : index
    %get3A_24 = vector.load %arg5[%get3A_22, %get3A_23] : memref<128x128xf32, #tpu.memory_space<vmem>>, vector<128x128xf32>
    %dot_general3A_25 = arith.constant dense<0.000000e+00> : vector<2000x128xf32>
    %dot_general3A_26 = tpu.matmul %get3A_21, %get3A_24, %dot_general3A_25 {dimension_numbers = #tpu.dot_dimension_numbers<[1], [1], [0], [0], [0, 0, 1, 0], [], []>, transpose_lhs_hint = false} : vector<2000x128xf32>, vector<128x128xf32>, vector<2000x128xf32> -> vector<2000x128xf32>
    %add3A = arith.addf %dot_general3A_18, %dot_general3A_26 : vector<2000x128xf32>
    %get3A_27 = arith.constant 0 : index
    %get3A_28 = arith.constant 0 : index
    %get3A_29 = vector.load %arg6[%get3A_27, %get3A_28] : memref<1x128xf32, #tpu.memory_space<vmem>>, vector<1x128xf32>
    %add3A_30 = vector.broadcast %get3A_29 : vector<1x128xf32> to vector<2000x128xf32>
    %add3A_31 = arith.addf %add3A, %add3A_30 : vector<2000x128xf32>
    %mul3A = arith.mulf %add3A_31, %add3A_31 : vector<2000x128xf32>
    %reduce_sum3A = arith.constant dense<0.000000e+00> : vector<2000xf32>
    %reduce_sum3A_32 = vector.multi_reduction <add>, %mul3A, %reduce_sum3A [1] : vector<2000x128xf32> to vector<2000xf32>
    %broadcast_in_dim3A = vector.shape_cast %reduce_sum3A_32 : vector<2000xf32> to vector<2000x1xf32>
    %sqrt3A = math.sqrt %broadcast_in_dim3A : vector<2000x1xf32>
    %max3A_33 = arith.constant 9.99999996E-13 : f32
    %max3A_34 = vector.broadcast %max3A_33 : f32 to vector<2000x1xf32>
    %max3A_35 = arith.maximumf %sqrt3A, %max3A_34 : vector<2000x1xf32>
    %div3A_36 = vector.broadcast %max3A_35 : vector<2000x1xf32> to vector<2000x128xf32>
    %div3A_37 = arith.divf %add3A_31, %div3A_36 : vector<2000x128xf32>
    %swap3A = arith.constant 0 : index
    %swap3A_38 = arith.constant 0 : index
    %swap3A_39 = vector.load %arg7[%swap3A, %swap3A_38] : memref<2000x128xf32, #tpu.memory_space<vmem>>, vector<2000x128xf32>
    tpu.vector_store %arg7[%swap3A, %swap3A_38], %div3A_37 {strides = array<i32>} : memref<2000x128xf32, #tpu.memory_space<vmem>>, vector<2000x128xf32>,
    return
  }
  func.func @transform_0(%arg0: i32) -> (i32, i32, i32) {
    %c0_i32 = arith.constant 0 : i32
    %c0_i32_0 = arith.constant 0 : i32
    %c0_i32_1 = arith.constant 0 : i32
    return %c0_i32, %arg0, %c0_i32_0 : i32, i32, i32
  }
  func.func @transform_1(%arg0: i32) -> (i32, i32) {
    %c0_i32 = arith.constant 0 : i32
    %c0_i32_0 = arith.constant 0 : i32
    return %arg0, %c0_i32 : i32, i32
  }
  func.func @transform_2(%arg0: i32) -> (i32, i32) {
    %c0_i32 = arith.constant 0 : i32
    %c0_i32_0 = arith.constant 0 : i32
    return %arg0, %c0_i32 : i32, i32
  }
  func.func @transform_3(%arg0: i32) -> (i32, i32) {
    %c0_i32 = arith.constant 0 : i32
    %c0_i32_0 = arith.constant 0 : i32
    %c0_i32_1 = arith.constant 0 : i32
    return %c0_i32, %c0_i32_0 : i32, i32
  }
  func.func @transform_4(%arg0: i32) -> (i32, i32) {
    %c0_i32 = arith.constant 0 : i32
    %c0_i32_0 = arith.constant 0 : i32
    %c0_i32_1 = arith.constant 0 : i32
    return %c0_i32, %c0_i32_0 : i32, i32
  }
  func.func @transform_5(%arg0: i32) -> (i32, i32) {
    %c0_i32 = arith.constant 0 : i32
    %c0_i32_0 = arith.constant 0 : i32
    %c0_i32_1 = arith.constant 0 : i32
    return %c0_i32, %c0_i32_0 : i32, i32
  }
  func.func @transform_6(%arg0: i32) -> (i32, i32) {
    %c0_i32 = arith.constant 0 : i32
    %c0_i32_0 = arith.constant 0 : i32
    return %arg0, %c0_i32 : i32, i32
  }
}

</mosaic_0001>

<sc_bundles>
// kernel: kernel.4.cloned.1.call-start
scs
__scs_entry_jumppad:
0x0: {  	(pc) =	sbr.rel $0x88, $3  }
0x1: {  	(tag) =	ssettag $0x0;
	lr =	simm.s32 $0x1  }
0x2: {  	[smem:$0x3F9C] =	sst lr;
	_ =	strace $0xD0000000  }
0x3: {  	_ = 	snop  }
0x4: {  	_ = 	snop  }
0x5: {  	_ = 	snop  }
0x6: {  	_ = 	snop  }
0x7: {  	_ = 	snop  }
__scs_overlays_trampoline_lowered:
0x8: {  	[smem:$0x3FAB] =	sst s0  }
0x9: {  	[smem:$0x3FAC] =	sst s1  }
0xa: {  	[smem:$0x3FAD] =	sst s2  }
0xb: {  	[smem:$0x3FAE] =	sst s3  }
0xc: {  	[smem:$0x3FAF] =	sst s4  }
0xd: {  	[smem:$0x3FB0] =	sst s5  }
0xe: {  	[smem:$0x3FB1] =	sst s6  }
0xf: {  	[smem:$0x3FB2] =	sst s7  }
0x10: {  	[smem:$0x3FB3] =	sst s8  }
0x11: {  	[smem:$0x3FB4] =	sst s9;
	s0 =	simm.s32 @!p0 $0x0  }
0x12: {  	s1 =	sld [smem:$0x3F9A];
	s0 =	simm.s32 @p0 $0x1  }
0x13: {  	[smem:$0x3FB5] =	sst s0;
	s0 =	simm.s32 @!p1 $0x0  }
0x14: {  	s2 =	sld [smem:$0x3F99];
	s0 =	simm.s32 @p1 $0x1  }
0x15: {  	[smem:$0x3FB6] =	sst s0;
	s0 =	simm.s32 @!p2 $0x0  }
0x16: {  	s3 =	sld [smem:$0x3FDB];
	s0 =	simm.s32 @p2 $0x1  }
0x17: {  	s4 =	simm.s32 $0x1BF5;
	[smem:$0x3FB8] =	sst s0  }
0x18: {  	s0 =	sld [smem:$0x3F9B];
	_ =	swait.ge [sflag:s4], $0x0  }
0x19: {  	s7 =	sld [smem:$0x3F9C]  }
0x1a: {  	s8 =	sadd.s32 $0xFFFFE003, lr  }
0x1b: {  	s9 =	sadd.s32 $0xFFFFFEF7, lr;
	s5 =	simm.s32 $0xFFFFFFFF;
	p2 =	slt.u32 s8, $0xFFFFF086  }
0x1c: {  	p1 =	slt.u32 s9, $0xF7A;
	s5 =	simm.s32 @!p2 $0x0  }
0x1d: {  	s5 =	simm.s32 @p1 $0x1;
	p0 =	seq.s32 s7, s2  }
0x1e: {  	s7 =	smul.u32 @!p0 $0xF7A, s2;
	p2 =	seq.s32 @!p0 s5, $0x0  }
0x1f: {  	s9 =	smul.u32 $0xF7A, s1;
	s8 =	simm.s32 @!p0 $0x1BF5;
	p2 =	por !p2, p0  }
0x20: {  	[sflag:s8] =	ssyncset.s32 @!p0 $0xFFFFF086;
	s6 =	sadd.s32 @!p0 s3, s7;
	s7 =	simm.s32 @!p0 $0x108  }
0x21: {  	s3 =	sadd.s32 s3, s9;
	s6 =	sadd.s32 @!p0 $0x88, s6;
	s7 =	simm.s32 @p2 $0x1082  }
0x22: {  	[simem:s7], [sflag:s8] =	dma.local @!p0 [hbm:s6], $0xF7A  }
0x23: {  	s9 =	sor.u32 $0xD0000000, s2;
	s6 =	simm.s32 $0x108;
	_ =	swait.ge @!p0 [sflag:s8], $0x0  }
0x24: {  	s3 =	sadd.s32 $0x88, s3;
	s6 =	simm.s32 @!p1 $0x1082;
	[sflag:s4] =	ssyncset.s32 $0xFFFFF086  }
0x25: {  	[simem:s6], [sflag:s4] =	dma.local [hbm:s3], $0xF7A  }
0x26: {  	[smem:$0x3F9C] =	sst s1;
	(tag) =	ssettag s2;
	_ =	strace s9  }
0x27: {  	s1 =	sld [smem:$0x3FAC]  }
0x28: {  	s2 =	sld [smem:$0x3FAD]  }
0x29: {  	s4 =	sld [smem:$0x3FAF]  }
0x2a: {  	p0 =	seq.s32 s5, $0x0;
	s5 =	sld [smem:$0x3FB0]  }
0x2b: {  	s6 =	sld [smem:$0x3FB1]  }
0x2c: {  	s7 =	sld [smem:$0x3FB2]  }
0x2d: {  	s3 =	simm.s32 $0x108;
	s8 =	sld [smem:$0x3FB3]  }
0x2e: {  	s3 =	simm.s32 @!p0 $0x1082;
	s9 =	sld [smem:$0x3FB4]  }
0x2f: {  	lr =	sadd.s32 s0, s3;
	s0 =	sld [smem:$0x3FAB]  }
0x30: {  	s3 =	sld [smem:$0x3FAE]  }
0x31: {  	[smem:$0x3FB7] =	sst s10  }
0x32: {  	s10 =	sld [smem:$0x3FB5];
	_ =	sdelay $0x3  }
0x33: {  	p0 =	seq.s32 s10, $0x1;
	s10 =	sld [smem:$0x3FB7];
	_ =	sdelay $0x3  }
0x34: {  	[smem:$0x3FB7] =	sst s10  }
0x35: {  	s10 =	sld [smem:$0x3FB6];
	_ =	sdelay $0x3  }
0x36: {  	p1 =	seq.s32 s10, $0x1;
	s10 =	sld [smem:$0x3FB7];
	_ =	sdelay $0x3  }
0x37: {  	[smem:$0x3FB7] =	sst s10  }
0x38: {  	s10 =	sld [smem:$0x3FB8]  }
0x39: {  	_ = 	snop;
	(pc) =	sbr.ind lr, $3  }
0x3a: {  	_ = 	snop  }
0x3b: {  	_ = 	snop  }
0x3c: {  	p2 =	seq.s32 s10, $0x1;
	s10 =	sld [smem:$0x3FB7]  }
0x3d: {  	_ =	shalt  }
0x3e: {  	_ =	shalt  }
0x3f: {  	_ =	shalt  }
0x40: {  	_ =	shalt  }
0x41: {  	_ =	shalt  }
0x42: {  	_ =	shalt  }
0x43: {  	_ =	shalt  }
0x44: {  	_ =	shalt  }
0x45: {  	_ =	shalt  }
0x46: {  	_ =	shalt  }
0x47: {  	_ =	shalt  }
0x48: {  	_ =	shalt  }
0x49: {  	_ =	shalt  }
0x4a: {  	_ =	shalt  }
0x4b: {  	_ =	shalt  }
0x4c: {  	_ =	shalt  }
0x4d: {  	_ =	shalt  }
0x4e: {  	_ =	shalt  }
0x4f: {  	_ =	shalt  }
0x50: {  	_ =	shalt  }
0x51: {  	_ =	shalt  }
0x52: {  	_ =	shalt  }
0x53: {  	_ =	shalt  }
0x54: {  	_ =	shalt  }
0x55: {  	_ =	shalt  }
0x56: {  	_ =	shalt  }
0x57: {  	_ =	shalt  }
0x58: {  	_ =	shalt  }
0x59: {  	_ =	shalt  }
0x5a: {  	_ =	shalt  }
0x5b: {  	_ =	shalt  }
0x5c: {  	_ =	shalt  }
0x5d: {  	_ =	shalt  }
0x5e: {  	_ =	shalt  }
0x5f: {  	_ =	shalt  }
0x60: {  	_ =	shalt  }
0x61: {  	_ =	shalt  }
0x62: {  	_ =	shalt  }
0x63: {  	_ =	shalt  }
0x64: {  	_ =	shalt  }
0x65: {  	_ =	shalt  }
0x66: {  	_ =	shalt  }
0x67: {  	_ =	shalt  }
0x68: {  	_ =	shalt  }
0x69: {  	_ =	shalt  }
0x6a: {  	_ =	shalt  }
0x6b: {  	_ =	shalt  }
0x6c: {  	_ =	shalt  }
0x6d: {  	_ =	shalt  }
0x6e: {  	_ =	shalt  }
0x6f: {  	_ =	shalt  }
0x70: {  	_ =	shalt  }
0x71: {  	_ =	shalt  }
0x72: {  	_ =	shalt  }
0x73: {  	_ =	shalt  }
0x74: {  	_ =	shalt  }
0x75: {  	_ =	shalt  }
0x76: {  	_ =	shalt  }
0x77: {  	_ =	shalt  }
0x78: {  	_ =	shalt  }
0x79: {  	_ =	shalt  }
0x7a: {  	_ =	shalt  }
0x7b: {  	_ =	shalt  }
0x7c: {  	_ =	shalt  }
0x7d: {  	_ =	shalt  }
0x7e: {  	_ =	shalt  }
0x7f: {  	_ =	shalt  }
0x80: {  	_ =	shalt  }
0x81: {  	_ =	shalt  }
0x82: {  	_ =	shalt  }
0x83: {  	_ =	shalt  }
0x84: {  	_ =	shalt  }
0x85: {  	_ =	shalt  }
0x86: {  	_ =	shalt  }
0x87: {  	_ =	shalt  }
.Lfunc_end0:
.L_simem_size_0:
called_computation_lowered:
.L_overlay_start_0:
0x88: {  	s2 =	sld [smem:$0x3FD9]  }
0x89: {  	s3 =	sld [smem:$0x3FFE];
	_ =	sdelay $0x1  }
0x8a: {  	s1 =	srdreg.scid  }
0x8b: {  	s0 =	sand.u32 $0x1, s1  }
0x8c: {  	s17 =	sshll.u32 s0, $0xA;
	s2 =	sadd.s32 s3, s2  }
0x8d: {  	s2 =	sadd.s32 s2, s17  }
0x8e: {  	[smem:$0x3FC3] =	sst s2  }
0x8f: {  	_ = 	snop  }
0x90: {  	s2 =	sld [smem:$0x3FD0];
	(tm) =	ssettm $0x1  }
0x91: {  	s18 =	sld [smem:$0x3FFB];
	_ =	sdelay $0x3  }
0x92: {  	_ =	strace s18  }
0x93: {  	s3 =	sld [smem:$0x3FFC];
	_ =	sdelay $0x3  }
0x94: {  	_ =	strace s3  }
0x95: {  	s3 =	sld [smem:$0x3FFD];
	_ =	sdelay $0x3  }
0x96: {  	_ =	strace s3  }
0x97: {  	_ =	strace $0x8FFFFFFF  }
0x98: {  	s19 =	sld [smem:$0x3FDB];
	_ =	sdelay $0x1  }
0x99: {  	s4 =	simm.s32 $_scs_section_size  }
0x9a: {  	s5 =	simm.s32 $_size__tile_overlayer_lowered;
	s6 =	simm.s32 $_tile_overlayer_lowered  }
0x9b: {  	s22 =	simm.s32 $0x1BFF;
	s21 =	sshll.u32 s6, $0x1;
	s3 =	sadd.s32 s4, s19  }
0x9c: {  	s7 =	simm.s32 $0x0;
	s20 =	sshll.u32 s5, $0x1;
	s5 =	sadd.s32 s21, s3  }
0x9d: {  	[timem:s7], [sflag:s22] =	dma.local [hbm:s5], s20  }
0x9e: {  	_ =	swait.ge [sflag:s22], s20  }
0x9f: {  	s4 =	ssub.s32 $0x0, s20;
	[sflag:s22] =	ssyncset.done $0x0  }
0xa0: {  	[sflag:s22] =	ssyncadd.s32 s4;
	_ =	sdelay $0x1  }
0xa1: {  	s23 =	simm.s32 $0x1B8B  }
0xa2: {  	_ =	swait.ge [sflag:s23], $0x1  }
0xa3: {  	[sflag:s23] =	ssyncset.done $0x0  }
0xa4: {  	s25 =	simm.s32 $0x1B8E;
	s24 =	sld [smem:$0x3FFE];
	[sflag:s23] =	ssyncadd.s32 $0xFFFFFFFF  }
0xa5: {  	s26 =	simm.s32 $execute0_lowered;
	[smem:$0x3FD2] =	sst s25  }
0xa6: {  	s5 =	sshll.u32 s26, $0x1;
	_ =	strace $0x80000046;
	[dreg:$0x1] =	wrdreg $0xFFFFFFFF  }
0xa7: {  	s28 =	simm.s32 $_size_execute0_lowered;
	s3 =	sadd.s32 s3, s5;
	[dreg:$0x0] =	wrdreg $0x0  }
0xa8: {  	s5 =	sshll.u32 s28, $0x1;
	[dreg:$0x2] =	wrdreg s3  }
0xa9: {  	[dreg:$0x3] =	wrdreg s5  }
0xaa: {  	[dreg:$0x4] =	wrdreg $0xC0  }
0xab: {  	_ =	task [dreg:s7], $0x5FFFF  }
0xac: {  	[dreg:$0x1] =	wrdreg $0xFFFFFFFF  }
0xad: {  	[dreg:$0x0] =	wrdreg $0x60  }
0xae: {  	[dreg:$0x2] =	wrdreg s2  }
0xaf: {  	[dreg:$0x3] =	wrdreg s24  }
0xb0: {  	[dreg:$0x4] =	wrdreg $0xC5000  }
0xb1: {  	[dreg:$0x5] =	wrdreg $0x163000  }
0xb2: {  	[dreg:$0x6] =	wrdreg $0x9  }
0xb3: {  	_ =	task.clear_ibuf [dreg:s7], $0x7FFFF;
	_ =	strace $0x90000046  }
0xb4: {  	s29 =	simm.s32 $0x9;
	_ =	strace $0x80000048  }
0xb5: {  	_ =	swait.ge [sflag:s29], $0x1  }
0xb6: {  	[sflag:s29] =	ssyncadd.s32 $0xFFFFFFFF  }
0xb7: {  	_ =	strace $0x90000048  }
0xb8: {  	_ =	sfence  }
0xb9: {  	s30 =	sld [smem:$0x0];
	_ =	sdelay $0x2  }
0xba: {  	s31 =	sshll.u32 s1, $0xD;
	s1 =	sshrl.u32 s1, $0x2  }
0xbb: {  	s3 =	sand.u32 $0x4000, s31;
	s1 =	sadd.s32 s1, s30  }
0xbc: {  	s0 =	sor.u32 s3, s0;
	s1 =	sshll.u32 s1, $0x11  }
0xbd: {  	s0 =	sor.u32 s1, s0  }
0xbe: {  	s0 =	sadd.s32 $0x8F2B, s0  }
0xbf: {  	[sflag:s0] =	ssyncadd.remote.s32 $0x1  }
0xc0: {  	_ =	sfence.sel $0xFFFF  }
0xc1: {  	[dreg:$0x0] =	wrdreg $0xFFFFFFFF;
	(pc) =	sbr.abs _section_cstart, $3  }
0xc2: {  	[dreg:$0x1] =	wrdreg $0xFFFFFFFF  }
0xc3: {  	_ =	task.clear_ibuf [dreg:s7], $0x2FFFF;
	_ =	strace $0x9FFFFFFF  }
0xc4: {  	(tm) =	ssettm $0x7FFFFFFF  }
0xc5: {  	_ =	shalt  }
tec
execute0_lowered:
.L_overlay_start_1:
0x0: {  	(tag) =	ssettag $0x1  }
0x1: {  	s1 =	rddreg [dreg:$0x0]  }
0x2: {  	s9 =	rddreg [dreg:$0x1];
	s2 =	srdreg.scid  }
0x3: {  	s0 =	stileid.u32;
	s3 =	rddreg [dreg:$0x2]  }
0x4: {  	s4 =	rddreg [dreg:$0x3];
	s5 =	simm.s32 $0x0;
	s6 =	smul.u32 $0x4E80, s0  }
0x5: {  	s20 =	simm.s32 $0x9D00;
	s21 =	simm.s32 $0x2;
	s12 =	smul.u32 $0x9E00, s0  }
0x6: {  	s15 =	sand.u32 $0x1, s2;
	s2 =	rddreg [dreg:$0x4];
	s14 =	smul.u32 $0x2780, s0  }
0x7: {  	s23 =	simm.s32 $0x0;
	[smem:$0x7FF] =	sst s5;
	s7 =	smul.u32 $0x4E800, s15  }
0x8: {  	s18 =	sshll.u32 s0, $0x6;
	s8 =	smul.u32 $0x9E000, s15;
	_ =	strace $0x80000047  }
0x9: {  	s17 =	ssub.s32 $0x2, s15;
	p0 =	sne.s32 s15, $0x0;
	s16 =	sshrl.u32 s14, $0x3  }
0xa: {  	s31 =	sshrl.u32 s17, $0x1;
	s19 =	sadd.s32 s12, s3;
	s22 =	sadd.s32 s14, s4  }
0xb: {  	s7 =	sadd.s32 s6, s7;
	s6 =	sshrl.u32 s6, $0x3;
	s13 =	sadd.s32 s12, s8  }
0xc: {  	s8 =	sadd.s32 $0x20200, s9;
	s16 =	sadd.s32 s16, s9;
	s17 =	ssub.s32 s17, s31  }
0xd: {  	s12 =	sshrl.u32 s12, $0x2;
	s15 =	sshrl.u32 s19, $0x3;
	s19 =	simm.s32 $0x80  }
0xe: {  	s22 =	sshrl.u32 @!p0 s22, $0x3;
	s7 =	sshrl.u32 s7, $0x3;
	s11 =	sadd.s32 s6, s9  }
0xf: {  	s6 =	sadd.s32 $0x1E800, s9;
	s13 =	sshrl.u32 s13, $0x3;
	s14 =	smax.u32 s17, $0x1  }
0x10: {  	s17 =	simm.s32 $0x4E80;
	s10 =	sadd.s32 s7, s9;
	s7 =	sadd.s32 $0x1FC00, s9  }
0x11: {  	s13 =	sadd.s32 s13, s9;
	s9 =	sor.u32 $0x1C01, s18;
	s11 =	sadd.s32 $0x14A00, s11  }
0x12: {  	s18 =	sadd.s32 s12, s4;
	s10 =	sadd.s32 $0x1000, s10;
	s12 =	sadd.s32 $0x20400, s13  }
0x13: {  	s13 =	sadd.s32 $0x47C00, s16;
	s16 =	simm.s32 $0x1;
	s18 =	sshrl.u32 @!p0 s18, $0x3  }
.LBB2_1:
0x14: {  	[spmem:s15], [sflag:s9] =	dma.local [hbm:s6], $0x13C0  }
0x15: {  	_ =	swait.ge [sflag:s16], $0x13C0  }
0x16: {  	[sflag:s16] =	ssyncset.done $0x0  }
0x17: {  	[sflag:s16] =	ssyncadd.s32 $0xFFFFEC40  }
0x18: {  	[tilespmem:s5], [sflag:$0x1] =	stream.linear.gather [hbm4b:s10+s5], $0x4E80, $0x38;
	[tilespmem:$0x18A80] =	vst v63  }
0x19: {  	_ =	swait.ge [sflag:s16], $0x4E80  }
0x1a: {  	[sflag:s16] =	ssyncset.done $0x0  }
0x1b: {  	[sflag:s16] =	ssyncadd.s32 $0xFFFFB180  }
0x1c: {  	[tilespmem:s17], [sflag:$0x1] =	stream.linear.gather [hbm4b:s11+s5], $0x4E80, $0x38;
	[tilespmem:$0x18A80] =	vst v63  }
0x1d: {  	_ =	swait.ge [sflag:s16], $0x4E80  }
0x1e: {  	[sflag:s16] =	ssyncset.done $0x0  }
0x1f: {  	s24 =	simm.s32 @!p0 $0x1;
	[sflag:s16] =	ssyncadd.s32 $0xFFFFB180  }
0x20: {  	[spmem:s18], [sflag:s9] =	dma.local @!p0 [hbm:s7], $0x4F0  }
0x21: {  	_ =	swait.ge @!p0 [sflag:s24], $0x4F0  }
0x22: {  	[sflag:s24] =	ssyncset.done @!p0 $0x0  }
0x23: {  	s26 =	simm.s32 @!p0 $0x0;
	s25 =	simm.s32 @!p0 $0xBD00;
	[sflag:s24] =	ssyncadd.s32 @!p0 $0xFFFFFB10  }
0x24: {  	[tilespmem:s25], [sflag:$0x1] =	stream.linear.gather @!p0 [hbm4b:s8+s26], $0x800, $0x38;
	[tilespmem:$0x18A80] =	vst v63  }
0x25: {  	_ =	swait.ge @!p0 [sflag:s24], $0x800  }
0x26: {  	[sflag:s24] =	ssyncset.done @!p0 $0x0  }
0x27: {  	[sflag:s24] =	ssyncadd.s32 @!p0 $0xFFFFF800  }
0x28: {  	s31 =	simm.s32 $0x0;
	[bflag:$0x0] =	sbarrier.arrive $0xFFFF  }
0x29: {  	[tilespmem:s20], [sflag:$0x2] =	stream.indirect.gather [hbm4b:s1+s19], $0x40, s31, s19, $0xb8;
	[tilespmem:$0x18A80] =	vst v63  }
0x2a: {  	_ =	swait.ge [sflag:s21], $0x2000  }
0x2b: {  	[sflag:s21] =	ssyncset.done $0x0  }
0x2c: {  	s28 =	simm.s32 $0x4E80;
	[sflag:s21] =	ssyncadd.s32 $0xFFFFE000  }
0x2d: {  	[spmem:s3] =	stream.indirect.scatter.add.f32 [tilespmem:s20], [sflag:$0x2], $0x40, s28, s19, $0xb8;
	[tilespmem:$0x18A80] =	vst v63  }
0x2e: {  	_ =	swait.ge [sflag:s21], $0x2000  }
0x2f: {  	[sflag:s21] =	ssyncset.done $0x0  }
0x30: {  	s26 =	simm.s32 @!p0 $0x80;
	[sflag:s21] =	ssyncadd.s32 $0xFFFFE000  }
0x31: {  	[spmem:s4] =	stream.indirect.scatter.add.f32 @!p0 [tilespmem:s25], [sflag:$0x1], $0x10, s28, s26, $0xb8;
	[tilespmem:$0x18A80] =	vst v63  }
0x32: {  	_ =	swait.ge @!p0 [sflag:s24], $0x800  }
0x33: {  	s29 =	simm.s32 $0x400;
	s28 =	simm.s32 $0x200;
	[sflag:s24] =	ssyncset.done @!p0 $0x0  }
.LBB2_2:
0x34: {  	s30 =	sshra.s32 s28, $0x2  }
0x35: {  	[sflag:s24] =	ssyncadd.s32 @!p0 $0xFFFFF800;
	s28 =	smov.u32 s29;
	s29 =	sadd.s32 $0x200, s29  }
0x36: {  	[tilespmem:s20], [sflag:$0x2] =	stream.indirect.gather [hbm4b:s1+s19], $0x40, s30, s19, $0xb8;
	[tilespmem:$0x18A80] =	vst v63  }
0x37: {  	p1 =	sne.s32 s29, $0x13A00;
	_ =	swait.ge [sflag:s21], $0x2000  }
0x38: {  	[sflag:s21] =	ssyncset.done $0x0  }
0x39: {  	s30 =	sadd.s32 $0x4E80, s30;
	[sflag:s21] =	ssyncadd.s32 $0xFFFFE000  }
0x3a: {  	[spmem:s3] =	stream.indirect.scatter.add.f32 [tilespmem:s20], [sflag:$0x2], $0x40, s30, s19, $0xb8;
	[tilespmem:$0x18A80] =	vst v63  }
0x3b: {  	_ =	swait.ge [sflag:s21], $0x2000  }
.Ltmp0:
0x3c: {  	[sflag:s21] =	ssyncset.done $0x0;
	(pc) =	sbr.rel @p1 .LBB2_2-.Ltmp0, $4  }
0x3d: {  	[sflag:s21] =	ssyncadd.s32 $0xFFFFE000  }
0x3e: {  	[spmem:s4] =	stream.indirect.scatter.add.f32 @!p0 [tilespmem:s25], [sflag:$0x1], $0x10, s30, s26, $0xb8;
	[tilespmem:$0x18A80] =	vst v63  }
0x3f: {  	_ =	swait.ge @!p0 [sflag:s24], $0x800  }
0x40: {  	[sflag:s24] =	ssyncset.done @!p0 $0x0  }
0x41: {  	s26 =	sshra.s32 s28, $0x2;
	[sflag:s24] =	ssyncadd.s32 @!p0 $0xFFFFF800  }
0x42: {  	[tilespmem:s20], [sflag:$0x2] =	stream.indirect.gather [hbm4b:s1+s19], $0x40, s26, s19, $0xb8;
	[tilespmem:$0x18A80] =	vst v63  }
0x43: {  	_ =	swait.ge [sflag:s21], $0x2000  }
0x44: {  	[sflag:s21] =	ssyncset.done $0x0  }
0x45: {  	s26 =	sadd.s32 $0x4E80, s26;
	[sflag:s21] =	ssyncadd.s32 $0xFFFFE000  }
0x46: {  	[spmem:s3] =	stream.indirect.scatter.add.f32 [tilespmem:s20], [sflag:$0x2], $0x40, s26, s19, $0xb8;
	[tilespmem:$0x18A80] =	vst v63  }
0x47: {  	_ =	swait.ge [sflag:s21], $0x2000  }
0x48: {  	[sflag:s21] =	ssyncset.done $0x0  }
0x49: {  	s28 =	simm.s32 @!p0 $0x80;
	[sflag:s21] =	ssyncadd.s32 $0xFFFFE000  }
0x4a: {  	[spmem:s4] =	stream.indirect.scatter.add.f32 @!p0 [tilespmem:s25], [sflag:$0x1], $0x10, s26, s28, $0xb8;
	[tilespmem:$0x18A80] =	vst v63  }
0x4b: {  	_ =	swait.ge @!p0 [sflag:s24], $0x800  }
0x4c: {  	[sflag:s24] =	ssyncset.done @!p0 $0x0  }
0x4d: {  	[sflag:s24] =	ssyncadd.s32 @!p0 $0xFFFFF800  }
0x4e: {  	[bflag:$0x0] =	sbarrier.arrive $0xFFFF  }
0x4f: {  	[hbm:s12], [sflag:s9] =	dma.local [spmem:s15], $0x13C0  }
0x50: {  	s23 =	sadd.s32 $0x1, s23;
	_ =	swait.ge [sflag:s16], $0x13C0  }
0x51: {  	p1 =	sne.s32 s23, s14;
	[sflag:s16] =	ssyncset.done $0x0  }
.Ltmp1:
0x52: {  	s24 =	simm.s32 @!p0 $0x1;
	[sflag:s16] =	ssyncadd.s32 $0xFFFFEC40;
	(pc) =	sbr.rel @p1 .LBB2_1-.Ltmp1, $4  }
0x53: {  	[hbm:s13], [sflag:s9] =	dma.local @!p0 [spmem:s22], $0x4F0  }
0x54: {  	_ =	swait.ge @!p0 [sflag:s24], $0x4F0  }
0x55: {  	[sflag:s24] =	ssyncset.done @!p0 $0x0  }
0x56: {  	[sflag:s24] =	ssyncadd.s32 @!p0 $0xFFFFFB10  }
0x57: {  	_ =	sfence.sel $0x180000  }
0x58: {  	[bflag:$0x0] =	sbarrier.arrive $0xFFFF  }
0x59: {  	p0 =	sne.s32 s0, $0x0;
	_ =	strace $0x90000047  }
0x5a: {  	s0 =	sadd.s32 @!p0 $0x100000, s2;
	[bflag:$0x2] =	sbarrier.arrive $0xFFFF  }
0x5b: {  	[sflag:s0] =	ssyncadd.tile.s32 @!p0 $0x1;
	_ =	shalt  }
.Lfunc_end2:
_tile_overlayer_lowered:
.L_overlay_start_2:
0x5c: {  	(tag) =	ssettag $0x2  }
0x5d: {  	s0 =	rddreg [dreg:$0x0];
	s2 =	stileid.u32  }
0x5e: {  	s1 =	rddreg [dreg:$0x1];
	p0 =	sne.s32 s2, $0x0  }
0x5f: {  	s3 =	rddreg [dreg:$0x2];
	[bflag:$0x3] =	sbarrier.arrive $0xFFFF;
	s2 =	simm.s32 @!p0 $0x1C01  }
0x60: {  	[timem:s3], [sflag:s2] =	dma.local @!p0 [hbm:s0], s1  }
0x61: {  	s0 =	simm.s32 @!p0 $0x1  }
0x62: {  	_ =	swait.ge @!p0 [sflag:s0], s1  }
0x63: {  	s1 =	ssub.s32 @!p0 $0x0, s1;
	[sflag:s0] =	ssyncset.done @!p0 $0x0  }
0x64: {  	[sflag:s0] =	ssyncadd.s32 @!p0 s1  }
0x65: {  	[bflag:$0x3] =	sbarrier.arrive $0xFFFF  }
0x66: {  	_ =	shalt  }

</sc_bundles>
